<compile_context>
chip_gen: v7x
topology: tpu7x:2x2x1
jax: 0.10.2.dev20260603
libtpu: 0.0.44.dev20260713+nightly
codegen_flags: <defaults>
</compile_context>

<pallas_src>
import functools

import jax
import jax.numpy as jnp
from jax.experimental import pallas as pl
from jax.experimental.pallas import tpu as pltpu
from jax.experimental.pallas import tpu_sc as plsc

_DIM = 64
_NE = 1024
_B = 16
_S = 576
_ROWS = _B * _S

_NC, _NS = 2, 16
_NW = _NC * _NS
_BPW = _ROWS // _NW
_NCH = 3
_CH = _BPW // _NCH


_BB = 4
_NSTEP = _B // _BB


def _tc_body(xt_ref, et_ref, idx_ref, acc_ref):
    i = pl.program_id(0)
    et = et_ref[...]
    e2 = jnp.sum(et * et, axis=1, keepdims=True)
    prev = jnp.where(i == 0, 0.0, acc_ref[0, 0])
    for k in range(_BB):
        xb = xt_ref[k]
        s = jax.lax.dot_general(et, xb, (((1,), (0,)), ((), ())),
                                preferred_element_type=jnp.float32)
        x2 = jnp.sum(xb * xb, axis=0, keepdims=True)
        sq = (x2 - 2.0 * s) + e2
        m = jnp.min(sq, axis=0, keepdims=True)
        iot = jax.lax.broadcasted_iota(jnp.int32, sq.shape, 0)
        idx = jnp.min(jnp.where(sq == m, iot, _NE), axis=0)
        idx_ref[k, 0, :] = idx
        prev = prev + jnp.sum(jnp.maximum(m, 0.0))
    acc_ref[0, 0] = jnp.where(
        i == _NSTEP - 1, prev * (1.0 / (_ROWS * _DIM)), prev)


_tc_call = pl.pallas_call(
    _tc_body,
    grid=(_NSTEP,),
    in_specs=[
        pl.BlockSpec((_BB, _DIM, _S), lambda i: (i, 0, 0)),
        pl.BlockSpec((_NE, _DIM), lambda i: (0, 0)),
    ],
    out_specs=[
        pl.BlockSpec((_BB, 1, _S), lambda i: (i, 0, 0)),
        pl.BlockSpec((1, 1), lambda i: (0, 0), memory_space=pltpu.SMEM),
    ],
    out_shape=[
        jax.ShapeDtypeStruct((_B, 1, _S), jnp.int32),
        jax.ShapeDtypeStruct((1, 1), jnp.float32),
    ],
)


@functools.partial(
    pl.kernel,
    mesh=plsc.VectorSubcoreMesh(core_axis_name="c", subcore_axis_name="s"),
    compiler_params=pltpu.CompilerParams(use_tc_tiling_on_sc=False),
    out_type=jax.ShapeDtypeStruct((_ROWS, _DIM), jnp.float32),
    scratch_types=[
        pltpu.VMEM((_NCH, _CH), jnp.int32),
        pltpu.VMEM((_BPW, _DIM), jnp.float32),
        pltpu.SemaphoreType.DMA,
    ],
)
def _sc_gather(table_hbm, idx_hbm, out_hbm, idx_v, rows_v, sem):
    wid = jax.lax.axis_index("s") * _NC + jax.lax.axis_index("c")
    base = wid * _BPW
    pltpu.sync_copy(idx_hbm.at[wid], idx_v)
    copies = [
        pltpu.async_copy(
            table_hbm.at[idx_v.at[j]],
            rows_v.at[pl.ds(j * _CH, _CH)],
            sem,
        )
        for j in range(_NCH)
    ]
    for c in copies:
        c.wait()
    pltpu.sync_copy(rows_v, out_hbm.at[pl.ds(base, _BPW)])


def kernel(input, embed):
    xt = jnp.transpose(input, (0, 2, 1))
    table = embed.T
    idx3, acc = _tc_call(xt, table)
    quantize = _sc_gather(table, idx3.reshape(_NW, _NCH, _CH))
    diff = acc[0, 0]
    return quantize.reshape(input.shape), diff, idx3.reshape(_B, _S)

# --- scband reference (transcript-rebuilt; emitter-appended) ---
"""Pipeline reference for scband-quantizer-84799834293036 (READ-ONLY COPY).

The authoritative reference and input builder live on the scoring server;
editing this copy changes nothing except your own understanding.
"""

import jax, jax.numpy as jnp
import numpy as np

DIM = 64
N_EMBED = 1024

def setup_inputs(seed: int = 0) -> dict:
    key = jax.random.key(seed)
    k1, k2 = jax.random.split(key)
    x = jax.random.normal(k1, (16, 576, DIM), dtype=jnp.float32)
    embed = jax.random.normal(k2, (DIM, N_EMBED), dtype=jnp.float32)
    return {"input": x, "embed": embed}

def reference(input, embed):
    dim = embed.shape[0]
    flatten = input.reshape(-1, dim)
    # torch.cdist(flatten, embed.T) with use_mm_for_euclid_dist
    x2 = jnp.sum(flatten * flatten, axis=1, keepdims=True)
    e2 = jnp.sum(embed * embed, axis=0, keepdims=True)
    sq = x2 - 2.0 * (flatten @ embed) + e2
    dist = jnp.sqrt(jnp.clip(sq, 0.0, None))
    embed_ind_flat = jnp.argmax(-dist, axis=1)
    embed_ind = embed_ind_flat.reshape(input.shape[:-1])
    # embed_code: F.embedding(embed_id, embed.T)
    quantize = jnp.take(embed.T, embed_ind, axis=0)
    diff = jnp.mean((jax.lax.stop_gradient(quantize) - input) ** 2)
    quantize = input + jax.lax.stop_gradient(quantize - input)
    return quantize, diff, embed_ind

if __name__ == "__main__":
    import jax
    _d = setup_inputs()
    print(jax.jit(kernel)(*tuple(_d.values())))

</pallas_src>

<mosaic_0001>
#map = affine_map<(d0, d1) -> (0, 0)>
#map1 = affine_map<(d0, d1) -> (0, 0, 0)>
module attributes {stable_mosaic.version = 14 : i64} {
  func.func @_sc_gather(%arg0: i32, %arg1: i32, %arg2: memref<1024x64xf32, #tpu.memory_space<hbm>>, %arg3: memref<32x3x96xi32, #tpu.memory_space<hbm>>, %arg4: memref<9216x64xf32, #tpu.memory_space<hbm>>, %arg5: memref<3x96xi32, #tpu.memory_space<vmem>>, %arg6: memref<288x64xf32, #tpu.memory_space<vmem>>, %arg7: memref<!tpu.dma_semaphore, #tpu.memory_space<semaphore_mem>>) attributes {dimension_semantics = [#tpu.dimension_semantics<core_parallel>, #tpu.dimension_semantics<subcore_parallel>], iteration_bounds = array<i64: 2, 16>, scalar_prefetch = 0 : i64, scratch_operands = 3 : i64, tpu.core_type = #tpu.core_type<sc_vector_subcore>, window_params = [{transform_indices = #map}, {transform_indices = #map1}, {transform_indices = #map}]} {
    %mul3A = arith.constant 2 : i32
    %mul3A_0 = arith.muli %arg1, %mul3A : i32
    %add3A = arith.addi %mul3A_0, %arg0 : i32
    %mul3A_1 = arith.constant 288 : i32
    %mul3A_2 = arith.muli %add3A, %mul3A_1 : i32
    "tpu.region"() ({
      %run_scoped3A = tpu.sem_alloc : memref<!tpu.dma_semaphore, #tpu.memory_space<semaphore_mem>>
      %dma_start3A_61 = arith.constant 0 : i32
      %dma_start3A_62 = arith.constant 0 : i32
      %dma_start3A_63 = tpu.memref_slice %arg3[%add3A, %dma_start3A_61, %dma_start3A_62] : memref<32x3x96xi32, #tpu.memory_space<hbm>> -> memref<1x3x96xi32, #tpu.memory_space<hbm>>
      %dma_start3A_64 = tpu.memref_squeeze %dma_start3A_63 : memref<1x3x96xi32, #tpu.memory_space<hbm>> -> memref<3x96xi32, #tpu.memory_space<hbm>>
      %dma_start3A_65 = arith.constant 0 : i32
      %dma_start3A_66 = arith.constant 0 : i32
      %dma_start3A_67 = tpu.memref_slice %arg3[%add3A, %dma_start3A_65, %dma_start3A_66] : memref<32x3x96xi32, #tpu.memory_space<hbm>> -> memref<1x3x96xi32, #tpu.memory_space<hbm>>
      %dma_start3A_68 = tpu.memref_squeeze %dma_start3A_67 : memref<1x3x96xi32, #tpu.memory_space<hbm>> -> memref<3x96xi32, #tpu.memory_space<hbm>>
      tpu.enqueue_dma source(%dma_start3A_68 : memref<3x96xi32, #tpu.memory_space<hbm>>) target(%arg5 : memref<3x96xi32, #tpu.memory_space<vmem>>) target_semaphore(%run_scoped3A : memref<!tpu.dma_semaphore, #tpu.memory_space<semaphore_mem>>)
      %dma_wait3A_69 = arith.constant 0 : i32
      %dma_wait3A_70 = arith.constant 0 : i32
      %dma_wait3A_71 = tpu.memref_slice %arg3[%add3A, %dma_wait3A_69, %dma_wait3A_70] : memref<32x3x96xi32, #tpu.memory_space<hbm>> -> memref<1x3x96xi32, #tpu.memory_space<hbm>>
      %dma_wait3A_72 = tpu.memref_squeeze %dma_wait3A_71 : memref<1x3x96xi32, #tpu.memory_space<hbm>> -> memref<3x96xi32, #tpu.memory_space<hbm>>
      %dma_wait3A_73 = arith.constant 0 : i32
      %dma_wait3A_74 = arith.constant 0 : i32
      %dma_wait3A_75 = tpu.memref_slice %arg3[%add3A, %dma_wait3A_73, %dma_wait3A_74] : memref<32x3x96xi32, #tpu.memory_space<hbm>> -> memref<1x3x96xi32, #tpu.memory_space<hbm>>
      %dma_wait3A_76 = tpu.memref_squeeze %dma_wait3A_75 : memref<1x3x96xi32, #tpu.memory_space<hbm>> -> memref<3x96xi32, #tpu.memory_space<hbm>>
      tpu.wait_dma2 semaphore(%run_scoped3A : memref<!tpu.dma_semaphore, #tpu.memory_space<semaphore_mem>>) src(%dma_wait3A_76 : memref<3x96xi32, #tpu.memory_space<hbm>>) dst(%arg5 : memref<3x96xi32, #tpu.memory_space<vmem>>)
      tpu.yield
    }) : () -> ()
    %dma_start3A = arith.constant 0 : i32
    %dma_start3A_3 = arith.constant 0 : i32
    %dma_start3A_4 = arith.constant 0 : i32
    %dma_start3A_5 = tpu.memref_slice %arg6[%dma_start3A_3, %dma_start3A_4] : memref<288x64xf32, #tpu.memory_space<vmem>> -> memref<96x64xf32, #tpu.memory_space<vmem>>
    %dma_start3A_6 = arith.constant 0 : i32
    %dma_start3A_7 = tpu.memref_slice %arg5[%dma_start3A, %dma_start3A_6] : memref<3x96xi32, #tpu.memory_space<vmem>> -> memref<1x96xi32, #tpu.memory_space<vmem>>
    %dma_start3A_8 = tpu.memref_squeeze %dma_start3A_7 : memref<1x96xi32, #tpu.memory_space<vmem>> -> memref<96xi32, #tpu.memory_space<vmem>>
    %dma_start3A_9 = arith.constant 0 : i32
    %dma_start3A_10 = arith.constant 0 : i32
    %dma_start3A_11 = tpu.memref_slice %arg2[%dma_start3A_9, %dma_start3A_10] : memref<1024x64xf32, #tpu.memory_space<hbm>> -> memref<1024x64xf32, #tpu.memory_space<hbm>>
    tpu.enqueue_indirect_dma source(%dma_start3A_11 : memref<1024x64xf32, #tpu.memory_space<hbm>>) target(%dma_start3A_5 : memref<96x64xf32, #tpu.memory_space<vmem>>) offsets(%dma_start3A_8 : memref<96xi32, #tpu.memory_space<vmem>>) semaphore(%arg7 : memref<!tpu.dma_semaphore, #tpu.memory_space<semaphore_mem>>)
    %dma_start3A_12 = arith.constant 1 : i32
    %dma_start3A_13 = arith.constant 96 : i32
    %dma_start3A_14 = arith.constant 0 : i32
    %dma_start3A_15 = tpu.memref_slice %arg6[%dma_start3A_13, %dma_start3A_14] : memref<288x64xf32, #tpu.memory_space<vmem>> -> memref<96x64xf32, #tpu.memory_space<vmem>>
    %dma_start3A_16 = arith.constant 0 : i32
    %dma_start3A_17 = tpu.memref_slice %arg5[%dma_start3A_12, %dma_start3A_16] : memref<3x96xi32, #tpu.memory_space<vmem>> -> memref<1x96xi32, #tpu.memory_space<vmem>>
    %dma_start3A_18 = tpu.memref_squeeze %dma_start3A_17 : memref<1x96xi32, #tpu.memory_space<vmem>> -> memref<96xi32, #tpu.memory_space<vmem>>
    %dma_start3A_19 = arith.constant 0 : i32
    %dma_start3A_20 = arith.constant 0 : i32
    %dma_start3A_21 = tpu.memref_slice %arg2[%dma_start3A_19, %dma_start3A_20] : memref<1024x64xf32, #tpu.memory_space<hbm>> -> memref<1024x64xf32, #tpu.memory_space<hbm>>
    tpu.enqueue_indirect_dma source(%dma_start3A_21 : memref<1024x64xf32, #tpu.memory_space<hbm>>) target(%dma_start3A_15 : memref<96x64xf32, #tpu.memory_space<vmem>>) offsets(%dma_start3A_18 : memref<96xi32, #tpu.memory_space<vmem>>) semaphore(%arg7 : memref<!tpu.dma_semaphore, #tpu.memory_space<semaphore_mem>>)
    %dma_start3A_22 = arith.constant 2 : i32
    %dma_start3A_23 = arith.constant 192 : i32
    %dma_start3A_24 = arith.constant 0 : i32
    %dma_start3A_25 = tpu.memref_slice %arg6[%dma_start3A_23, %dma_start3A_24] : memref<288x64xf32, #tpu.memory_space<vmem>> -> memref<96x64xf32, #tpu.memory_space<vmem>>
    %dma_start3A_26 = arith.constant 0 : i32
    %dma_start3A_27 = tpu.memref_slice %arg5[%dma_start3A_22, %dma_start3A_26] : memref<3x96xi32, #tpu.memory_space<vmem>> -> memref<1x96xi32, #tpu.memory_space<vmem>>
    %dma_start3A_28 = tpu.memref_squeeze %dma_start3A_27 : memref<1x96xi32, #tpu.memory_space<vmem>> -> memref<96xi32, #tpu.memory_space<vmem>>
    %dma_start3A_29 = arith.constant 0 : i32
    %dma_start3A_30 = arith.constant 0 : i32
    %dma_start3A_31 = tpu.memref_slice %arg2[%dma_start3A_29, %dma_start3A_30] : memref<1024x64xf32, #tpu.memory_space<hbm>> -> memref<1024x64xf32, #tpu.memory_space<hbm>>
    tpu.enqueue_indirect_dma source(%dma_start3A_31 : memref<1024x64xf32, #tpu.memory_space<hbm>>) target(%dma_start3A_25 : memref<96x64xf32, #tpu.memory_space<vmem>>) offsets(%dma_start3A_28 : memref<96xi32, #tpu.memory_space<vmem>>) semaphore(%arg7 : memref<!tpu.dma_semaphore, #tpu.memory_space<semaphore_mem>>)
    %dma_wait3A = arith.constant 0 : i32
    %dma_wait3A_32 = arith.constant 0 : i32
    %dma_wait3A_33 = arith.constant 0 : i32
    %dma_wait3A_34 = tpu.memref_slice %arg6[%dma_wait3A_32, %dma_wait3A_33] : memref<288x64xf32, #tpu.memory_space<vmem>> -> memref<96x64xf32, #tpu.memory_space<vmem>>
    %dma_wait3A_35 = arith.constant 0 : i32
    %dma_wait3A_36 = tpu.memref_slice %arg5[%dma_wait3A, %dma_wait3A_35] : memref<3x96xi32, #tpu.memory_space<vmem>> -> memref<1x96xi32, #tpu.memory_space<vmem>>
    %dma_wait3A_37 = tpu.memref_squeeze %dma_wait3A_36 : memref<1x96xi32, #tpu.memory_space<vmem>> -> memref<96xi32, #tpu.memory_space<vmem>>
    %dma_wait3A_38 = arith.constant 0 : i32
    %dma_wait3A_39 = arith.constant 0 : i32
    %dma_wait3A_40 = tpu.memref_slice %arg2[%dma_wait3A_38, %dma_wait3A_39] : memref<1024x64xf32, #tpu.memory_space<hbm>> -> memref<1024x64xf32, #tpu.memory_space<hbm>>
    tpu.wait_indirect_dma semaphore(%arg7 : memref<!tpu.dma_semaphore, #tpu.memory_space<semaphore_mem>>) src(%dma_wait3A_40 : memref<1024x64xf32, #tpu.memory_space<hbm>>) dst(%dma_wait3A_34 : memref<96x64xf32, #tpu.memory_space<vmem>>)
    %dma_wait3A_41 = arith.constant 1 : i32
    %dma_wait3A_42 = arith.constant 96 : i32
    %dma_wait3A_43 = arith.constant 0 : i32
    %dma_wait3A_44 = tpu.memref_slice %arg6[%dma_wait3A_42, %dma_wait3A_43] : memref<288x64xf32, #tpu.memory_space<vmem>> -> memref<96x64xf32, #tpu.memory_space<vmem>>
    %dma_wait3A_45 = arith.constant 0 : i32
    %dma_wait3A_46 = tpu.memref_slice %arg5[%dma_wait3A_41, %dma_wait3A_45] : memref<3x96xi32, #tpu.memory_space<vmem>> -> memref<1x96xi32, #tpu.memory_space<vmem>>
    %dma_wait3A_47 = tpu.memref_squeeze %dma_wait3A_46 : memref<1x96xi32, #tpu.memory_space<vmem>> -> memref<96xi32, #tpu.memory_space<vmem>>
    %dma_wait3A_48 = arith.constant 0 : i32
    %dma_wait3A_49 = arith.constant 0 : i32
    %dma_wait3A_50 = tpu.memref_slice %arg2[%dma_wait3A_48, %dma_wait3A_49] : memref<1024x64xf32, #tpu.memory_space<hbm>> -> memref<1024x64xf32, #tpu.memory_space<hbm>>
    tpu.wait_indirect_dma semaphore(%arg7 : memref<!tpu.dma_semaphore, #tpu.memory_space<semaphore_mem>>) src(%dma_wait3A_50 : memref<1024x64xf32, #tpu.memory_space<hbm>>) dst(%dma_wait3A_44 : memref<96x64xf32, #tpu.memory_space<vmem>>)
    %dma_wait3A_51 = arith.constant 2 : i32
    %dma_wait3A_52 = arith.constant 192 : i32
    %dma_wait3A_53 = arith.constant 0 : i32
    %dma_wait3A_54 = tpu.memref_slice %arg6[%dma_wait3A_52, %dma_wait3A_53] : memref<288x64xf32, #tpu.memory_space<vmem>> -> memref<96x64xf32, #tpu.memory_space<vmem>>
    %dma_wait3A_55 = arith.constant 0 : i32
    %dma_wait3A_56 = tpu.memref_slice %arg5[%dma_wait3A_51, %dma_wait3A_55] : memref<3x96xi32, #tpu.memory_space<vmem>> -> memref<1x96xi32, #tpu.memory_space<vmem>>
    %dma_wait3A_57 = tpu.memref_squeeze %dma_wait3A_56 : memref<1x96xi32, #tpu.memory_space<vmem>> -> memref<96xi32, #tpu.memory_space<vmem>>
    %dma_wait3A_58 = arith.constant 0 : i32
    %dma_wait3A_59 = arith.constant 0 : i32
    %dma_wait3A_60 = tpu.memref_slice %arg2[%dma_wait3A_58, %dma_wait3A_59] : memref<1024x64xf32, #tpu.memory_space<hbm>> -> memref<1024x64xf32, #tpu.memory_space<hbm>>
    tpu.wait_indirect_dma semaphore(%arg7 : memref<!tpu.dma_semaphore, #tpu.memory_space<semaphore_mem>>) src(%dma_wait3A_60 : memref<1024x64xf32, #tpu.memory_space<hbm>>) dst(%dma_wait3A_54 : memref<96x64xf32, #tpu.memory_space<vmem>>)
    "tpu.region"() ({
      %run_scoped3A = tpu.sem_alloc : memref<!tpu.dma_semaphore, #tpu.memory_space<semaphore_mem>>
      %dma_start3A_61 = arith.constant 0 : i32
      %dma_start3A_62 = tpu.memref_slice %arg4[%mul3A_2, %dma_start3A_61] : memref<9216x64xf32, #tpu.memory_space<hbm>> -> memref<288x64xf32, #tpu.memory_space<hbm>>
      %dma_start3A_63 = arith.constant 0 : i32
      %dma_start3A_64 = tpu.memref_slice %arg4[%mul3A_2, %dma_start3A_63] : memref<9216x64xf32, #tpu.memory_space<hbm>> -> memref<288x64xf32, #tpu.memory_space<hbm>>
      tpu.enqueue_dma source(%arg6 : memref<288x64xf32, #tpu.memory_space<vmem>>) target(%dma_start3A_64 : memref<288x64xf32, #tpu.memory_space<hbm>>) target_semaphore(%run_scoped3A : memref<!tpu.dma_semaphore, #tpu.memory_space<semaphore_mem>>)
      %dma_wait3A_65 = arith.constant 0 : i32
      %dma_wait3A_66 = tpu.memref_slice %arg4[%mul3A_2, %dma_wait3A_65] : memref<9216x64xf32, #tpu.memory_space<hbm>> -> memref<288x64xf32, #tpu.memory_space<hbm>>
      %dma_wait3A_67 = arith.constant 0 : i32
      %dma_wait3A_68 = tpu.memref_slice %arg4[%mul3A_2, %dma_wait3A_67] : memref<9216x64xf32, #tpu.memory_space<hbm>> -> memref<288x64xf32, #tpu.memory_space<hbm>>
      tpu.wait_dma2 semaphore(%run_scoped3A : memref<!tpu.dma_semaphore, #tpu.memory_space<semaphore_mem>>) src(%arg6 : memref<288x64xf32, #tpu.memory_space<vmem>>) dst(%dma_wait3A_68 : memref<288x64xf32, #tpu.memory_space<hbm>>)
      tpu.yield
    }) : () -> ()
    return
  }
}

module attributes {stable_mosaic.version = 14 : i64} {
  func.func @_tc_body(%arg0: i32, %arg1: memref<4x64x576xf32, #tpu.memory_space<vmem>>, %arg2: memref<1024x64xf32, #tpu.memory_space<vmem>>, %arg3: memref<4x1x576xi32, #tpu.memory_space<vmem>>, %arg4: memref<1x1xf32, #tpu.memory_space<smem>>) attributes {dimension_semantics = [#tpu.dimension_semantics<arbitrary>], iteration_bounds = array<i64: 4>, scalar_prefetch = 0 : i64, scratch_operands = 0 : i64, tpu.core_type = #tpu.core_type<tc>, window_params = [{transform_indices = @transform_0, window_bounds = array<i64: 4, 64, 576>}, {pipeline_mode = #tpu.pipeline_mode<synchronous>, transform_indices = @transform_1, window_bounds = array<i64: 1024, 64>}, {transform_indices = @transform_2, window_bounds = array<i64: 4, 1, 576>}, {transform_indices = @transform_3, window_bounds = array<i64: 1, 1>}]} {
    %get3A = arith.constant 0 : index
    %get3A_0 = arith.constant 0 : index
    %get3A_1 = vector.load %arg2[%get3A, %get3A_0] : memref<1024x64xf32, #tpu.memory_space<vmem>>, vector<1024x64xf32>
    %mul3A = arith.mulf %get3A_1, %get3A_1 : vector<1024x64xf32>
    %reduce_sum3A = arith.constant dense<0.000000e+00> : vector<1024xf32>
    %reduce_sum3A_2 = vector.multi_reduction <add>, %mul3A, %reduce_sum3A [1] : vector<1024x64xf32> to vector<1024xf32>
    %broadcast_in_dim3A = vector.shape_cast %reduce_sum3A_2 : vector<1024xf32> to vector<1024x1xf32>
    %eq3A = arith.constant 0 : i32
    %eq3A_3 = arith.cmpi eq, %arg0, %eq3A : i32
    %get3A_4 = arith.constant 0 : index
    %get3A_5 = arith.constant 0 : index
    %get3A_6 = memref.load %arg4[%get3A_4, %get3A_5] : memref<1x1xf32, #tpu.memory_space<smem>>
    %jit3A = arith.constant 0.000000e+00 : f32
    %select_n3A = arith.select %eq3A_3, %jit3A, %get3A_6 : f32
    %get3A_7 = arith.constant 0 : index
    %get3A_8 = arith.constant 0 : index
    %get3A_9 = arith.constant 0 : index
    %get3A_10 = vector.load %arg1[%get3A_7, %get3A_8, %get3A_9] : memref<4x64x576xf32, #tpu.memory_space<vmem>>, vector<1x64x576xf32>
    %get3A_11 = vector.shape_cast %get3A_10 : vector<1x64x576xf32> to vector<64x576xf32>
    %dot_general3A = arith.constant dense<0.000000e+00> : vector<1024x576xf32>
    %dot_general3A_12 = tpu.matmul %get3A_1, %get3A_11, %dot_general3A {dimension_numbers = #tpu.dot_dimension_numbers<[1], [0], [0], [1], [0, 0, 1, 1], [], []>, transpose_lhs_hint = false} : vector<1024x64xf32>, vector<64x576xf32>, vector<1024x576xf32> -> vector<1024x576xf32>
    %mul3A_13 = arith.mulf %get3A_11, %get3A_11 : vector<64x576xf32>
    %reduce_sum3A_14 = arith.constant dense<0.000000e+00> : vector<576xf32>
    %reduce_sum3A_15 = vector.multi_reduction <add>, %mul3A_13, %reduce_sum3A_14 [0] : vector<64x576xf32> to vector<576xf32>
    %broadcast_in_dim3A_16 = vector.shape_cast %reduce_sum3A_15 : vector<576xf32> to vector<1x576xf32>
    %mul3A_17 = arith.constant 2.000000e+00 : f32
    %mul3A_18 = vector.broadcast %mul3A_17 : f32 to vector<1024x576xf32>
    %mul3A_19 = arith.mulf %mul3A_18, %dot_general3A_12 : vector<1024x576xf32>
    %sub3A = vector.broadcast %broadcast_in_dim3A_16 : vector<1x576xf32> to vector<1024x576xf32>
    %sub3A_20 = arith.subf %sub3A, %mul3A_19 : vector<1024x576xf32>
    %add3A = vector.broadcast %broadcast_in_dim3A : vector<1024x1xf32> to vector<1024x576xf32>
    %add3A_21 = arith.addf %sub3A_20, %add3A : vector<1024x576xf32>
    %reduce_min3A = arith.constant dense<0x7F800000> : vector<576xf32>
    %reduce_min3A_22 = vector.multi_reduction <minimumf>, %add3A_21, %reduce_min3A [0] : vector<1024x576xf32> to vector<576xf32>
    %broadcast_in_dim3A_23 = vector.shape_cast %reduce_min3A_22 : vector<576xf32> to vector<1x576xf32>
    %iota3A = tpu.iota {dimensions = array<i32: 0>} : vector<1024x576xi32>
    %eq3A_24 = vector.broadcast %broadcast_in_dim3A_23 : vector<1x576xf32> to vector<1024x576xf32>
    %eq3A_25 = arith.cmpf oeq, %add3A_21, %eq3A_24 : vector<1024x576xf32>
    %jit3A_26 = arith.constant 1024 : i32
    %broadcast_in_dim3A_27 = vector.broadcast %jit3A_26 : i32 to vector<1024x576xi32>
    %select_n3A_28 = arith.select %eq3A_25, %iota3A, %broadcast_in_dim3A_27 : vector<1024x576xi1>, vector<1024x576xi32>
    %reduce_min3A_29 = arith.constant dense<2147483647> : vector<576xi32>
    %reduce_min3A_30 = vector.multi_reduction <minsi>, %select_n3A_28, %reduce_min3A_29 [0] : vector<1024x576xi32> to vector<576xi32>
    %swap3A = arith.constant 0 : index
    %swap3A_31 = arith.constant 0 : index
    %swap3A_32 = arith.constant 0 : index
    %swap3A_33 = vector.load %arg3[%swap3A, %swap3A_31, %swap3A_32] : memref<4x1x576xi32, #tpu.memory_space<vmem>>, vector<1x1x576xi32>
    %swap3A_34 = vector.shape_cast %swap3A_33 : vector<1x1x576xi32> to vector<576xi32>
    %swap3A_35 = vector.shape_cast %reduce_min3A_30 : vector<576xi32> to vector<1x1x576xi32>
    tpu.vector_store %arg3[%swap3A, %swap3A_31, %swap3A_32], %swap3A_35 {strides = array<i32>} : memref<4x1x576xi32, #tpu.memory_space<vmem>>, vector<1x1x576xi32>,
    %max3A = arith.constant 0.000000e+00 : f32
    %max3A_36 = vector.broadcast %max3A : f32 to vector<1x576xf32>
    %max3A_37 = arith.maximumf %broadcast_in_dim3A_23, %max3A_36 : vector<1x576xf32>
    %reduce_sum3A_38 = vector.shape_cast %max3A_37 : vector<1x576xf32> to vector<1x1x576xf32>
    %reduce_sum3A_39 = arith.constant dense<0.000000e+00> : vector<1xf32>
    %reduce_sum3A_40 = vector.multi_reduction <add>, %reduce_sum3A_38, %reduce_sum3A_39 [1, 2] : vector<1x1x576xf32> to vector<1xf32>
    %reduce_sum3A_41 = vector.shape_cast %reduce_sum3A_40 : vector<1xf32> to vector<1x1x1xf32>
    %reduce_sum3A_42 = vector.extract %reduce_sum3A_41[0, 0, 0] : f32 from vector<1x1x1xf32>
    %add3A_43 = arith.addf %select_n3A, %reduce_sum3A_42 : f32
    %get3A_44 = arith.constant 1 : index
    %get3A_45 = arith.constant 0 : index
    %get3A_46 = arith.constant 0 : index
    %get3A_47 = vector.load %arg1[%get3A_44, %get3A_45, %get3A_46] : memref<4x64x576xf32, #tpu.memory_space<vmem>>, vector<1x64x576xf32>
    %get3A_48 = vector.shape_cast %get3A_47 : vector<1x64x576xf32> to vector<64x576xf32>
    %dot_general3A_49 = arith.constant dense<0.000000e+00> : vector<1024x576xf32>
    %dot_general3A_50 = tpu.matmul %get3A_1, %get3A_48, %dot_general3A_49 {dimension_numbers = #tpu.dot_dimension_numbers<[1], [0], [0], [1], [0, 0, 1, 1], [], []>, transpose_lhs_hint = false} : vector<1024x64xf32>, vector<64x576xf32>, vector<1024x576xf32> -> vector<1024x576xf32>
    %mul3A_51 = arith.mulf %get3A_48, %get3A_48 : vector<64x576xf32>
    %reduce_sum3A_52 = arith.constant dense<0.000000e+00> : vector<576xf32>
    %reduce_sum3A_53 = vector.multi_reduction <add>, %mul3A_51, %reduce_sum3A_52 [0] : vector<64x576xf32> to vector<576xf32>
    %broadcast_in_dim3A_54 = vector.shape_cast %reduce_sum3A_53 : vector<576xf32> to vector<1x576xf32>
    %mul3A_55 = arith.constant 2.000000e+00 : f32
    %mul3A_56 = vector.broadcast %mul3A_55 : f32 to vector<1024x576xf32>
    %mul3A_57 = arith.mulf %mul3A_56, %dot_general3A_50 : vector<1024x576xf32>
    %sub3A_58 = vector.broadcast %broadcast_in_dim3A_54 : vector<1x576xf32> to vector<1024x576xf32>
    %sub3A_59 = arith.subf %sub3A_58, %mul3A_57 : vector<1024x576xf32>
    %add3A_60 = vector.broadcast %broadcast_in_dim3A : vector<1024x1xf32> to vector<1024x576xf32>
    %add3A_61 = arith.addf %sub3A_59, %add3A_60 : vector<1024x576xf32>
    %reduce_min3A_62 = arith.constant dense<0x7F800000> : vector<576xf32>
    %reduce_min3A_63 = vector.multi_reduction <minimumf>, %add3A_61, %reduce_min3A_62 [0] : vector<1024x576xf32> to vector<576xf32>
    %broadcast_in_dim3A_64 = vector.shape_cast %reduce_min3A_63 : vector<576xf32> to vector<1x576xf32>
    %iota3A_65 = tpu.iota {dimensions = array<i32: 0>} : vector<1024x576xi32>
    %eq3A_66 = vector.broadcast %broadcast_in_dim3A_64 : vector<1x576xf32> to vector<1024x576xf32>
    %eq3A_67 = arith.cmpf oeq, %add3A_61, %eq3A_66 : vector<1024x576xf32>
    %jit3A_68 = arith.constant 1024 : i32
    %broadcast_in_dim3A_69 = vector.broadcast %jit3A_68 : i32 to vector<1024x576xi32>
    %select_n3A_70 = arith.select %eq3A_67, %iota3A_65, %broadcast_in_dim3A_69 : vector<1024x576xi1>, vector<1024x576xi32>
    %reduce_min3A_71 = arith.constant dense<2147483647> : vector<576xi32>
    %reduce_min3A_72 = vector.multi_reduction <minsi>, %select_n3A_70, %reduce_min3A_71 [0] : vector<1024x576xi32> to vector<576xi32>
    %swap3A_73 = arith.constant 1 : index
    %swap3A_74 = arith.constant 0 : index
    %swap3A_75 = arith.constant 0 : index
    %swap3A_76 = vector.load %arg3[%swap3A_73, %swap3A_74, %swap3A_75] : memref<4x1x576xi32, #tpu.memory_space<vmem>>, vector<1x1x576xi32>
    %swap3A_77 = vector.shape_cast %swap3A_76 : vector<1x1x576xi32> to vector<576xi32>
    %swap3A_78 = vector.shape_cast %reduce_min3A_72 : vector<576xi32> to vector<1x1x576xi32>
    tpu.vector_store %arg3[%swap3A_73, %swap3A_74, %swap3A_75], %swap3A_78 {strides = array<i32>} : memref<4x1x576xi32, #tpu.memory_space<vmem>>, vector<1x1x576xi32>,
    %max3A_79 = arith.constant 0.000000e+00 : f32
    %max3A_80 = vector.broadcast %max3A_79 : f32 to vector<1x576xf32>
    %max3A_81 = arith.maximumf %broadcast_in_dim3A_64, %max3A_80 : vector<1x576xf32>
    %reduce_sum3A_82 = vector.shape_cast %max3A_81 : vector<1x576xf32> to vector<1x1x576xf32>
    %reduce_sum3A_83 = arith.constant dense<0.000000e+00> : vector<1xf32>
    %reduce_sum3A_84 = vector.multi_reduction <add>, %reduce_sum3A_82, %reduce_sum3A_83 [1, 2] : vector<1x1x576xf32> to vector<1xf32>
    %reduce_sum3A_85 = vector.shape_cast %reduce_sum3A_84 : vector<1xf32> to vector<1x1x1xf32>
    %reduce_sum3A_86 = vector.extract %reduce_sum3A_85[0, 0, 0] : f32 from vector<1x1x1xf32>
    %add3A_87 = arith.addf %add3A_43, %reduce_sum3A_86 : f32
    %get3A_88 = arith.constant 2 : index
    %get3A_89 = arith.constant 0 : index
    %get3A_90 = arith.constant 0 : index
    %get3A_91 = vector.load %arg1[%get3A_88, %get3A_89, %get3A_90] : memref<4x64x576xf32, #tpu.memory_space<vmem>>, vector<1x64x576xf32>
    %get3A_92 = vector.shape_cast %get3A_91 : vector<1x64x576xf32> to vector<64x576xf32>
    %dot_general3A_93 = arith.constant dense<0.000000e+00> : vector<1024x576xf32>
    %dot_general3A_94 = tpu.matmul %get3A_1, %get3A_92, %dot_general3A_93 {dimension_numbers = #tpu.dot_dimension_numbers<[1], [0], [0], [1], [0, 0, 1, 1], [], []>, transpose_lhs_hint = false} : vector<1024x64xf32>, vector<64x576xf32>, vector<1024x576xf32> -> vector<1024x576xf32>
    %mul3A_95 = arith.mulf %get3A_92, %get3A_92 : vector<64x576xf32>
    %reduce_sum3A_96 = arith.constant dense<0.000000e+00> : vector<576xf32>
    %reduce_sum3A_97 = vector.multi_reduction <add>, %mul3A_95, %reduce_sum3A_96 [0] : vector<64x576xf32> to vector<576xf32>
    %broadcast_in_dim3A_98 = vector.shape_cast %reduce_sum3A_97 : vector<576xf32> to vector<1x576xf32>
    %mul3A_99 = arith.constant 2.000000e+00 : f32
    %mul3A_100 = vector.broadcast %mul3A_99 : f32 to vector<1024x576xf32>
    %mul3A_101 = arith.mulf %mul3A_100, %dot_general3A_94 : vector<1024x576xf32>
    %sub3A_102 = vector.broadcast %broadcast_in_dim3A_98 : vector<1x576xf32> to vector<1024x576xf32>
    %sub3A_103 = arith.subf %sub3A_102, %mul3A_101 : vector<1024x576xf32>
    %add3A_104 = vector.broadcast %broadcast_in_dim3A : vector<1024x1xf32> to vector<1024x576xf32>
    %add3A_105 = arith.addf %sub3A_103, %add3A_104 : vector<1024x576xf32>
    %reduce_min3A_106 = arith.constant dense<0x7F800000> : vector<576xf32>
    %reduce_min3A_107 = vector.multi_reduction <minimumf>, %add3A_105, %reduce_min3A_106 [0] : vector<1024x576xf32> to vector<576xf32>
    %broadcast_in_dim3A_108 = vector.shape_cast %reduce_min3A_107 : vector<576xf32> to vector<1x576xf32>
    %iota3A_109 = tpu.iota {dimensions = array<i32: 0>} : vector<1024x576xi32>
    %eq3A_110 = vector.broadcast %broadcast_in_dim3A_108 : vector<1x576xf32> to vector<1024x576xf32>
    %eq3A_111 = arith.cmpf oeq, %add3A_105, %eq3A_110 : vector<1024x576xf32>
    %jit3A_112 = arith.constant 1024 : i32
    %broadcast_in_dim3A_113 = vector.broadcast %jit3A_112 : i32 to vector<1024x576xi32>
    %select_n3A_114 = arith.select %eq3A_111, %iota3A_109, %broadcast_in_dim3A_113 : vector<1024x576xi1>, vector<1024x576xi32>
    %reduce_min3A_115 = arith.constant dense<2147483647> : vector<576xi32>
    %reduce_min3A_116 = vector.multi_reduction <minsi>, %select_n3A_114, %reduce_min3A_115 [0] : vector<1024x576xi32> to vector<576xi32>
    %swap3A_117 = arith.constant 2 : index
    %swap3A_118 = arith.constant 0 : index
    %swap3A_119 = arith.constant 0 : index
    %swap3A_120 = vector.load %arg3[%swap3A_117, %swap3A_118, %swap3A_119] : memref<4x1x576xi32, #tpu.memory_space<vmem>>, vector<1x1x576xi32>
    %swap3A_121 = vector.shape_cast %swap3A_120 : vector<1x1x576xi32> to vector<576xi32>
    %swap3A_122 = vector.shape_cast %reduce_min3A_116 : vector<576xi32> to vector<1x1x576xi32>
    tpu.vector_store %arg3[%swap3A_117, %swap3A_118, %swap3A_119], %swap3A_122 {strides = array<i32>} : memref<4x1x576xi32, #tpu.memory_space<vmem>>, vector<1x1x576xi32>,
    %max3A_123 = arith.constant 0.000000e+00 : f32
    %max3A_124 = vector.broadcast %max3A_123 : f32 to vector<1x576xf32>
    %max3A_125 = arith.maximumf %broadcast_in_dim3A_108, %max3A_124 : vector<1x576xf32>
    %reduce_sum3A_126 = vector.shape_cast %max3A_125 : vector<1x576xf32> to vector<1x1x576xf32>
    %reduce_sum3A_127 = arith.constant dense<0.000000e+00> : vector<1xf32>
    %reduce_sum3A_128 = vector.multi_reduction <add>, %reduce_sum3A_126, %reduce_sum3A_127 [1, 2] : vector<1x1x576xf32> to vector<1xf32>
    %reduce_sum3A_129 = vector.shape_cast %reduce_sum3A_128 : vector<1xf32> to vector<1x1x1xf32>
    %reduce_sum3A_130 = vector.extract %reduce_sum3A_129[0, 0, 0] : f32 from vector<1x1x1xf32>
    %add3A_131 = arith.addf %add3A_87, %reduce_sum3A_130 : f32
    %get3A_132 = arith.constant 3 : index
    %get3A_133 = arith.constant 0 : index
    %get3A_134 = arith.constant 0 : index
    %get3A_135 = vector.load %arg1[%get3A_132, %get3A_133, %get3A_134] : memref<4x64x576xf32, #tpu.memory_space<vmem>>, vector<1x64x576xf32>
    %get3A_136 = vector.shape_cast %get3A_135 : vector<1x64x576xf32> to vector<64x576xf32>
    %dot_general3A_137 = arith.constant dense<0.000000e+00> : vector<1024x576xf32>
    %dot_general3A_138 = tpu.matmul %get3A_1, %get3A_136, %dot_general3A_137 {dimension_numbers = #tpu.dot_dimension_numbers<[1], [0], [0], [1], [0, 0, 1, 1], [], []>, transpose_lhs_hint = false} : vector<1024x64xf32>, vector<64x576xf32>, vector<1024x576xf32> -> vector<1024x576xf32>
    %mul3A_139 = arith.mulf %get3A_136, %get3A_136 : vector<64x576xf32>
    %reduce_sum3A_140 = arith.constant dense<0.000000e+00> : vector<576xf32>
    %reduce_sum3A_141 = vector.multi_reduction <add>, %mul3A_139, %reduce_sum3A_140 [0] : vector<64x576xf32> to vector<576xf32>
    %broadcast_in_dim3A_142 = vector.shape_cast %reduce_sum3A_141 : vector<576xf32> to vector<1x576xf32>
    %mul3A_143 = arith.constant 2.000000e+00 : f32
    %mul3A_144 = vector.broadcast %mul3A_143 : f32 to vector<1024x576xf32>
    %mul3A_145 = arith.mulf %mul3A_144, %dot_general3A_138 : vector<1024x576xf32>
    %sub3A_146 = vector.broadcast %broadcast_in_dim3A_142 : vector<1x576xf32> to vector<1024x576xf32>
    %sub3A_147 = arith.subf %sub3A_146, %mul3A_145 : vector<1024x576xf32>
    %add3A_148 = vector.broadcast %broadcast_in_dim3A : vector<1024x1xf32> to vector<1024x576xf32>
    %add3A_149 = arith.addf %sub3A_147, %add3A_148 : vector<1024x576xf32>
    %reduce_min3A_150 = arith.constant dense<0x7F800000> : vector<576xf32>
    %reduce_min3A_151 = vector.multi_reduction <minimumf>, %add3A_149, %reduce_min3A_150 [0] : vector<1024x576xf32> to vector<576xf32>
    %broadcast_in_dim3A_152 = vector.shape_cast %reduce_min3A_151 : vector<576xf32> to vector<1x576xf32>
    %iota3A_153 = tpu.iota {dimensions = array<i32: 0>} : vector<1024x576xi32>
    %eq3A_154 = vector.broadcast %broadcast_in_dim3A_152 : vector<1x576xf32> to vector<1024x576xf32>
    %eq3A_155 = arith.cmpf oeq, %add3A_149, %eq3A_154 : vector<1024x576xf32>
    %jit3A_156 = arith.constant 1024 : i32
    %broadcast_in_dim3A_157 = vector.broadcast %jit3A_156 : i32 to vector<1024x576xi32>
    %select_n3A_158 = arith.select %eq3A_155, %iota3A_153, %broadcast_in_dim3A_157 : vector<1024x576xi1>, vector<1024x576xi32>
    %reduce_min3A_159 = arith.constant dense<2147483647> : vector<576xi32>
    %reduce_min3A_160 = vector.multi_reduction <minsi>, %select_n3A_158, %reduce_min3A_159 [0] : vector<1024x576xi32> to vector<576xi32>
    %swap3A_161 = arith.constant 3 : index
    %swap3A_162 = arith.constant 0 : index
    %swap3A_163 = arith.constant 0 : index
    %swap3A_164 = vector.load %arg3[%swap3A_161, %swap3A_162, %swap3A_163] : memref<4x1x576xi32, #tpu.memory_space<vmem>>, vector<1x1x576xi32>
    %swap3A_165 = vector.shape_cast %swap3A_164 : vector<1x1x576xi32> to vector<576xi32>
    %swap3A_166 = vector.shape_cast %reduce_min3A_160 : vector<576xi32> to vector<1x1x576xi32>
    tpu.vector_store %arg3[%swap3A_161, %swap3A_162, %swap3A_163], %swap3A_166 {strides = array<i32>} : memref<4x1x576xi32, #tpu.memory_space<vmem>>, vector<1x1x576xi32>,
    %max3A_167 = arith.constant 0.000000e+00 : f32
    %max3A_168 = vector.broadcast %max3A_167 : f32 to vector<1x576xf32>
    %max3A_169 = arith.maximumf %broadcast_in_dim3A_152, %max3A_168 : vector<1x576xf32>
    %reduce_sum3A_170 = vector.shape_cast %max3A_169 : vector<1x576xf32> to vector<1x1x576xf32>
    %reduce_sum3A_171 = arith.constant dense<0.000000e+00> : vector<1xf32>
    %reduce_sum3A_172 = vector.multi_reduction <add>, %reduce_sum3A_170, %reduce_sum3A_171 [1, 2] : vector<1x1x576xf32> to vector<1xf32>
    %reduce_sum3A_173 = vector.shape_cast %reduce_sum3A_172 : vector<1xf32> to vector<1x1x1xf32>
    %reduce_sum3A_174 = vector.extract %reduce_sum3A_173[0, 0, 0] : f32 from vector<1x1x1xf32>
    %add3A_175 = arith.addf %add3A_131, %reduce_sum3A_174 : f32
    %eq3A_176 = arith.constant 3 : i32
    %eq3A_177 = arith.cmpi eq, %arg0, %eq3A_176 : i32
    %mul3A_178 = arith.constant 1.69542102E-6 : f32
    %mul3A_179 = arith.mulf %add3A_175, %mul3A_178 : f32
    %select_n3A_180 = arith.select %eq3A_177, %mul3A_179, %add3A_175 : f32
    %swap3A_181 = arith.constant 0 : index
    %swap3A_182 = arith.constant 0 : index
    %swap3A_183 = memref.load %arg4[%swap3A_181, %swap3A_182] : memref<1x1xf32, #tpu.memory_space<smem>>
    memref.store %select_n3A_180, %arg4[%swap3A_181, %swap3A_182] : memref<1x1xf32, #tpu.memory_space<smem>>
    return
  }
  func.func @transform_0(%arg0: i32) -> (i32, i32, i32) {
    %c0_i32 = arith.constant 0 : i32
    %c0_i32_0 = arith.constant 0 : i32
    %c0_i32_1 = arith.constant 0 : i32
    return %arg0, %c0_i32, %c0_i32_0 : i32, i32, i32
  }
  func.func @transform_1(%arg0: i32) -> (i32, i32) {
    %c0_i32 = arith.constant 0 : i32
    %c0_i32_0 = arith.constant 0 : i32
    %c0_i32_1 = arith.constant 0 : i32
    return %c0_i32, %c0_i32_0 : i32, i32
  }
  func.func @transform_2(%arg0: i32) -> (i32, i32, i32) {
    %c0_i32 = arith.constant 0 : i32
    %c0_i32_0 = arith.constant 0 : i32
    %c0_i32_1 = arith.constant 0 : i32
    return %arg0, %c0_i32, %c0_i32_0 : i32, i32, i32
  }
  func.func @transform_3(%arg0: i32) -> (i32, i32) {
    %c0_i32 = arith.constant 0 : i32
    %c0_i32_0 = arith.constant 0 : i32
    %c0_i32_1 = arith.constant 0 : i32
    return %c0_i32, %c0_i32_0 : i32, i32
  }
}

</mosaic_0001>

<sc_bundles>
// kernel: kernel.4.cloned.1.call-start
scs
__scs_entry_jumppad:
0x0: {  	(pc) =	sbr.rel $0x88, $3  }
0x1: {  	(tag) =	ssettag $0x0;
	lr =	simm.s32 $0x1  }
0x2: {  	[smem:$0x3F9F] =	sst lr;
	_ =	strace $0xD0000000  }
0x3: {  	_ = 	snop  }
0x4: {  	_ = 	snop  }
0x5: {  	_ = 	snop  }
0x6: {  	_ = 	snop  }
0x7: {  	_ = 	snop  }
__scs_overlays_trampoline_lowered:
0x8: {  	[smem:$0x3FAE] =	sst s0  }
0x9: {  	[smem:$0x3FAF] =	sst s1  }
0xa: {  	[smem:$0x3FB0] =	sst s2  }
0xb: {  	[smem:$0x3FB1] =	sst s3  }
0xc: {  	[smem:$0x3FB2] =	sst s4  }
0xd: {  	[smem:$0x3FB3] =	sst s5  }
0xe: {  	[smem:$0x3FB4] =	sst s6  }
0xf: {  	[smem:$0x3FB5] =	sst s7  }
0x10: {  	[smem:$0x3FB6] =	sst s8  }
0x11: {  	[smem:$0x3FB7] =	sst s9;
	s0 =	simm.s32 @!p0 $0x0  }
0x12: {  	s1 =	sld [smem:$0x3F9D];
	s0 =	simm.s32 @p0 $0x1  }
0x13: {  	[smem:$0x3FB8] =	sst s0;
	s0 =	simm.s32 @!p1 $0x0  }
0x14: {  	s2 =	sld [smem:$0x3F9C];
	s0 =	simm.s32 @p1 $0x1  }
0x15: {  	[smem:$0x3FB9] =	sst s0;
	s0 =	simm.s32 @!p2 $0x0  }
0x16: {  	s3 =	sld [smem:$0x3FDB];
	s0 =	simm.s32 @p2 $0x1  }
0x17: {  	s4 =	simm.s32 $0x1BF5;
	[smem:$0x3FBB] =	sst s0  }
0x18: {  	s0 =	sld [smem:$0x3F9E];
	_ =	swait.ge [sflag:s4], $0x0  }
0x19: {  	s7 =	sld [smem:$0x3F9F]  }
0x1a: {  	s8 =	sadd.s32 $0xFFFFE003, lr  }
0x1b: {  	s9 =	sadd.s32 $0xFFFFFEF7, lr;
	s5 =	simm.s32 $0xFFFFFFFF;
	p2 =	slt.u32 s8, $0xFFFFF086  }
0x1c: {  	p1 =	slt.u32 s9, $0xF7A;
	s5 =	simm.s32 @!p2 $0x0  }
0x1d: {  	s5 =	simm.s32 @p1 $0x1;
	p0 =	seq.s32 s7, s2  }
0x1e: {  	s7 =	smul.u32 @!p0 $0xF7A, s2;
	p2 =	seq.s32 @!p0 s5, $0x0  }
0x1f: {  	s9 =	smul.u32 $0xF7A, s1;
	s8 =	simm.s32 @!p0 $0x1BF5;
	p2 =	por !p2, p0  }
0x20: {  	[sflag:s8] =	ssyncset.s32 @!p0 $0xFFFFF086;
	s6 =	sadd.s32 @!p0 s3, s7;
	s7 =	simm.s32 @!p0 $0x108  }
0x21: {  	s3 =	sadd.s32 s3, s9;
	s6 =	sadd.s32 @!p0 $0x88, s6;
	s7 =	simm.s32 @p2 $0x1082  }
0x22: {  	[simem:s7], [sflag:s8] =	dma.local @!p0 [hbm:s6], $0xF7A  }
0x23: {  	s9 =	sor.u32 $0xD0000000, s2;
	s6 =	simm.s32 $0x108;
	_ =	swait.ge @!p0 [sflag:s8], $0x0  }
0x24: {  	s3 =	sadd.s32 $0x88, s3;
	s6 =	simm.s32 @!p1 $0x1082;
	[sflag:s4] =	ssyncset.s32 $0xFFFFF086  }
0x25: {  	[simem:s6], [sflag:s4] =	dma.local [hbm:s3], $0xF7A  }
0x26: {  	[smem:$0x3F9F] =	sst s1;
	(tag) =	ssettag s2;
	_ =	strace s9  }
0x27: {  	s1 =	sld [smem:$0x3FAF]  }
0x28: {  	s2 =	sld [smem:$0x3FB0]  }
0x29: {  	s4 =	sld [smem:$0x3FB2]  }
0x2a: {  	p0 =	seq.s32 s5, $0x0;
	s5 =	sld [smem:$0x3FB3]  }
0x2b: {  	s6 =	sld [smem:$0x3FB4]  }
0x2c: {  	s7 =	sld [smem:$0x3FB5]  }
0x2d: {  	s3 =	simm.s32 $0x108;
	s8 =	sld [smem:$0x3FB6]  }
0x2e: {  	s3 =	simm.s32 @!p0 $0x1082;
	s9 =	sld [smem:$0x3FB7]  }
0x2f: {  	lr =	sadd.s32 s0, s3;
	s0 =	sld [smem:$0x3FAE]  }
0x30: {  	s3 =	sld [smem:$0x3FB1]  }
0x31: {  	[smem:$0x3FBA] =	sst s10  }
0x32: {  	s10 =	sld [smem:$0x3FB8];
	_ =	sdelay $0x3  }
0x33: {  	p0 =	seq.s32 s10, $0x1;
	s10 =	sld [smem:$0x3FBA];
	_ =	sdelay $0x3  }
0x34: {  	[smem:$0x3FBA] =	sst s10  }
0x35: {  	s10 =	sld [smem:$0x3FB9];
	_ =	sdelay $0x3  }
0x36: {  	p1 =	seq.s32 s10, $0x1;
	s10 =	sld [smem:$0x3FBA];
	_ =	sdelay $0x3  }
0x37: {  	[smem:$0x3FBA] =	sst s10  }
0x38: {  	s10 =	sld [smem:$0x3FBB]  }
0x39: {  	_ = 	snop;
	(pc) =	sbr.ind lr, $3  }
0x3a: {  	_ = 	snop  }
0x3b: {  	_ = 	snop  }
0x3c: {  	p2 =	seq.s32 s10, $0x1;
	s10 =	sld [smem:$0x3FBA]  }
0x3d: {  	_ =	shalt  }
0x3e: {  	_ =	shalt  }
0x3f: {  	_ =	shalt  }
0x40: {  	_ =	shalt  }
0x41: {  	_ =	shalt  }
0x42: {  	_ =	shalt  }
0x43: {  	_ =	shalt  }
0x44: {  	_ =	shalt  }
0x45: {  	_ =	shalt  }
0x46: {  	_ =	shalt  }
0x47: {  	_ =	shalt  }
0x48: {  	_ =	shalt  }
0x49: {  	_ =	shalt  }
0x4a: {  	_ =	shalt  }
0x4b: {  	_ =	shalt  }
0x4c: {  	_ =	shalt  }
0x4d: {  	_ =	shalt  }
0x4e: {  	_ =	shalt  }
0x4f: {  	_ =	shalt  }
0x50: {  	_ =	shalt  }
0x51: {  	_ =	shalt  }
0x52: {  	_ =	shalt  }
0x53: {  	_ =	shalt  }
0x54: {  	_ =	shalt  }
0x55: {  	_ =	shalt  }
0x56: {  	_ =	shalt  }
0x57: {  	_ =	shalt  }
0x58: {  	_ =	shalt  }
0x59: {  	_ =	shalt  }
0x5a: {  	_ =	shalt  }
0x5b: {  	_ =	shalt  }
0x5c: {  	_ =	shalt  }
0x5d: {  	_ =	shalt  }
0x5e: {  	_ =	shalt  }
0x5f: {  	_ =	shalt  }
0x60: {  	_ =	shalt  }
0x61: {  	_ =	shalt  }
0x62: {  	_ =	shalt  }
0x63: {  	_ =	shalt  }
0x64: {  	_ =	shalt  }
0x65: {  	_ =	shalt  }
0x66: {  	_ =	shalt  }
0x67: {  	_ =	shalt  }
0x68: {  	_ =	shalt  }
0x69: {  	_ =	shalt  }
0x6a: {  	_ =	shalt  }
0x6b: {  	_ =	shalt  }
0x6c: {  	_ =	shalt  }
0x6d: {  	_ =	shalt  }
0x6e: {  	_ =	shalt  }
0x6f: {  	_ =	shalt  }
0x70: {  	_ =	shalt  }
0x71: {  	_ =	shalt  }
0x72: {  	_ =	shalt  }
0x73: {  	_ =	shalt  }
0x74: {  	_ =	shalt  }
0x75: {  	_ =	shalt  }
0x76: {  	_ =	shalt  }
0x77: {  	_ =	shalt  }
0x78: {  	_ =	shalt  }
0x79: {  	_ =	shalt  }
0x7a: {  	_ =	shalt  }
0x7b: {  	_ =	shalt  }
0x7c: {  	_ =	shalt  }
0x7d: {  	_ =	shalt  }
0x7e: {  	_ =	shalt  }
0x7f: {  	_ =	shalt  }
0x80: {  	_ =	shalt  }
0x81: {  	_ =	shalt  }
0x82: {  	_ =	shalt  }
0x83: {  	_ =	shalt  }
0x84: {  	_ =	shalt  }
0x85: {  	_ =	shalt  }
0x86: {  	_ =	shalt  }
0x87: {  	_ =	shalt  }
.Lfunc_end0:
.L_simem_size_0:
called_computation_lowered:
.L_overlay_start_0:
0x88: {  	s2 =	sld [smem:$0x3FD9]  }
0x89: {  	s3 =	sld [smem:$0x3FFE];
	_ =	sdelay $0x1  }
0x8a: {  	s1 =	srdreg.scid  }
0x8b: {  	s0 =	sand.u32 $0x1, s1  }
0x8c: {  	s14 =	sshll.u32 s0, $0xA;
	s2 =	sadd.s32 s3, s2  }
0x8d: {  	s2 =	sadd.s32 s2, s14  }
0x8e: {  	[smem:$0x3FC6] =	sst s2  }
0x8f: {  	_ = 	snop  }
0x90: {  	s2 =	sld [smem:$0x3FD0];
	_ =	sdelay $0x2  }
0x91: {  	s15 =	simm.s32 $0xA;
	s4 =	simm.s32 $0x10  }
0x92: {  	[smem:s4], [sflag:s15] =	dma.local [hbm:s2], $0x1  }
0x93: {  	_ =	swait.eq [sflag:s15], $0x1  }
0x94: {  	[sflag:s15] =	ssyncset.done $0x0  }
0x95: {  	[sflag:s15] =	ssyncadd.s32 $0xFFFFFFFF  }
0x96: {  	s16 =	sld [smem:$0x10];
	(tm) =	ssettm $0x1  }
0x97: {  	s17 =	sld [smem:$0x3FFB];
	_ =	sdelay $0x3  }
0x98: {  	_ =	strace s17  }
0x99: {  	s3 =	sld [smem:$0x3FFC];
	_ =	sdelay $0x3  }
0x9a: {  	_ =	strace s3  }
0x9b: {  	s3 =	sld [smem:$0x3FFD];
	_ =	sdelay $0x3  }
0x9c: {  	_ =	strace s3  }
0x9d: {  	_ =	strace $0x8FFFFFFF  }
0x9e: {  	s18 =	sld [smem:$0x3FDB];
	_ =	sdelay $0x1  }
0x9f: {  	s19 =	simm.s32 $_scs_section_size  }
0xa0: {  	s5 =	simm.s32 $_size__tile_overlayer_lowered;
	s6 =	simm.s32 $_tile_overlayer_lowered  }
0xa1: {  	s22 =	simm.s32 $0x1BFF;
	s21 =	sshll.u32 s6, $0x1;
	s3 =	sadd.s32 s19, s18  }
0xa2: {  	s7 =	simm.s32 $0x0;
	s20 =	sshll.u32 s5, $0x1;
	s5 =	sadd.s32 s21, s3  }
0xa3: {  	[timem:s7], [sflag:s22] =	dma.local [hbm:s5], s20  }
0xa4: {  	_ =	swait.ge [sflag:s22], s20  }
0xa5: {  	s4 =	ssub.s32 $0x0, s20;
	[sflag:s22] =	ssyncset.done $0x0  }
0xa6: {  	[sflag:s22] =	ssyncadd.s32 s4;
	_ =	sdelay $0x1  }
0xa7: {  	s23 =	simm.s32 $0x1B8B  }
0xa8: {  	_ =	swait.ge [sflag:s23], $0x1  }
0xa9: {  	[sflag:s23] =	ssyncset.done $0x0  }
0xaa: {  	s25 =	simm.s32 $0x1B8E;
	s24 =	sld [smem:$0x3FFE];
	[sflag:s23] =	ssyncadd.s32 $0xFFFFFFFF  }
0xab: {  	s26 =	simm.s32 $execute0_lowered;
	[smem:$0x3FD2] =	sst s25  }
0xac: {  	s5 =	sshll.u32 s26, $0x1;
	_ =	strace $0x80000046;
	[dreg:$0x1] =	wrdreg $0xFFFFFFFF  }
0xad: {  	s28 =	simm.s32 $_size_execute0_lowered;
	s3 =	sadd.s32 s3, s5;
	[dreg:$0x0] =	wrdreg $0x0  }
0xae: {  	s5 =	sshll.u32 s28, $0x1;
	[dreg:$0x2] =	wrdreg s3  }
0xaf: {  	[dreg:$0x3] =	wrdreg s5  }
0xb0: {  	[dreg:$0x4] =	wrdreg $0xC0  }
0xb1: {  	_ =	task [dreg:s7], $0x5FFFF  }
0xb2: {  	[dreg:$0x1] =	wrdreg $0xFFFFFFFF  }
0xb3: {  	[dreg:$0x0] =	wrdreg $0x60  }
0xb4: {  	[dreg:$0x2] =	wrdreg s24  }
0xb5: {  	[dreg:$0x3] =	wrdreg s16  }
0xb6: {  	[dreg:$0x4] =	wrdreg $0x9  }
0xb7: {  	_ =	task.clear_ibuf [dreg:s7], $0x5FFFF;
	_ =	strace $0x90000046  }
0xb8: {  	s29 =	simm.s32 $0x9;
	_ =	strace $0x80000048  }
0xb9: {  	_ =	swait.ge [sflag:s29], $0x1  }
0xba: {  	[sflag:s29] =	ssyncadd.s32 $0xFFFFFFFF  }
0xbb: {  	_ =	strace $0x90000048  }
0xbc: {  	_ =	sfence  }
0xbd: {  	s30 =	sld [smem:$0x0];
	_ =	sdelay $0x2  }
0xbe: {  	s31 =	sshll.u32 s1, $0xD;
	s1 =	sshrl.u32 s1, $0x2  }
0xbf: {  	s3 =	sand.u32 $0x4000, s31;
	s1 =	sadd.s32 s1, s30  }
0xc0: {  	s0 =	sor.u32 s3, s0;
	s1 =	sshll.u32 s1, $0x11  }
0xc1: {  	s0 =	sor.u32 s1, s0  }
0xc2: {  	s0 =	sadd.s32 $0x8F2B, s0  }
0xc3: {  	[sflag:s0] =	ssyncadd.remote.s32 $0x1  }
0xc4: {  	_ =	sfence.sel $0xFFFF  }
0xc5: {  	[dreg:$0x0] =	wrdreg $0xFFFFFFFF;
	(pc) =	sbr.abs _section_cstart, $3  }
0xc6: {  	[dreg:$0x1] =	wrdreg $0xFFFFFFFF  }
0xc7: {  	_ =	task.clear_ibuf [dreg:s7], $0x2FFFF;
	_ =	strace $0x9FFFFFFF  }
0xc8: {  	(tm) =	ssettm $0x7FFFFFFF  }
0xc9: {  	_ =	shalt  }
tec
execute0_lowered:
.L_overlay_start_1:
0x0: {  	(tag) =	ssettag $0x1  }
0x1: {  	s1 =	srdreg.scid;
	s0 =	stileid.u32  }
0x2: {  	s12 =	sand.u32 $0x1, s1;
	s30 =	sshll.u32 s0, $0x1  }
0x3: {  	s5 =	rddreg [dreg:$0x0];
	s13 =	sor.u32 s12, s30  }
0x4: {  	s14 =	rddreg [dreg:$0x1];
	s3 =	smul.u32 $0x24, s13  }
0x5: {  	s2 =	simm.s32 $0x0;
	s1 =	rddreg [dreg:$0x2]  }
0x6: {  	[smem:$0x7FF] =	sst s2;
	s3 =	sadd.s32 s3, s5  }
0x7: {  	_ =	strace $0x80000047;
	s4 =	sadd.s32 $0x2400, s3;
	s3 =	simm.s32 $0x2  }
0x8: {  	[tilespmem:s2], [sflag:$0x2] =	stream.linear.gather [hbm4b:s4+s2], $0x120, $0x38;
	[tilespmem:$0x4920] =	vst v63  }
0x9: {  	_ =	swait.ge [sflag:s3], $0x120  }
0xa: {  	s6 =	simm.s32 $0x60;
	[sflag:s3] =	ssyncset.done $0x0  }
0xb: {  	s7 =	simm.s32 $0x120;
	s5 =	sadd.s32 $0x400, s5;
	[sflag:s3] =	ssyncadd.s32 $0xFFFFFEE0  }
0xc: {  	[tilespmem:s7], [sflag:$0x1] =	stream.indirect.gather [hbm4b:s5+s6], $0x40, s2, s6, $0xb8;
	[tilespmem:$0x4920] =	vst v63  }
0xd: {  	s8 =	simm.s32 $0x1920  }
0xe: {  	[tilespmem:s8], [sflag:$0x1] =	stream.indirect.gather [hbm4b:s5+s6], $0x40, s6, s6, $0xb8;
	[tilespmem:$0x4920] =	vst v63  }
0xf: {  	s9 =	simm.s32 $0xC0;
	s10 =	simm.s32 $0x3120;
	s11 =	simm.s32 $0x1  }
0x10: {  	[tilespmem:s10], [sflag:$0x1] =	stream.indirect.gather [hbm4b:s5+s6], $0x40, s9, s6, $0xb8;
	[tilespmem:$0x4920] =	vst v63  }
0x11: {  	_ =	swait.ge [sflag:s11], $0x1800  }
0x12: {  	[sflag:s11] =	ssyncset.done $0x0  }
0x13: {  	s12 =	ssub.s32 $0x2, s12;
	[sflag:s11] =	ssyncadd.s32 $0xFFFFE800  }
0x14: {  	s15 =	sshrl.u32 s12, $0x1;
	_ =	swait.ge [sflag:s11], $0x1800  }
0x15: {  	s15 =	ssub.s32 s12, s15;
	[sflag:s11] =	ssyncset.done $0x0  }
0x16: {  	s31 =	smax.u32 s15, $0x1;
	[sflag:s11] =	ssyncadd.s32 $0xFFFFE800  }
0x17: {  	s13 =	smul.u32 $0x900, s13;
	p0 =	sne.s32 s31, $0x1;
	_ =	swait.ge [sflag:s11], $0x1800  }
.Ltmp0:
0x18: {  	[sflag:s11] =	ssyncset.done $0x0;
	(pc) =	sbr.rel @!p0 .LBB2_2-.Ltmp0, $4  }
0x19: {  	s12 =	sadd.s32 s14, s13;
	[sflag:s11] =	ssyncadd.s32 $0xFFFFE800  }
0x1a: {  	[hbm4b:s12+s2] =	stream.linear.scatter [tilespmem:s7], [sflag:$0x2], $0x4800, $0x38;
	[tilespmem:$0x4920] =	vst v63  }
0x1b: {  	_ =	swait.ge [sflag:s3], $0x4800  }
0x1c: {  	s13 =	sadd.s32 $0xFFFFFFFF, s31;
	[sflag:s3] =	ssyncset.done $0x0  }
.LBB2_1:
0x1d: {  	p0 =	sne.s32 s13, $0x1;
	s13 =	sadd.s32 $0xFFFFFFFF, s13;
	[sflag:s3] =	ssyncadd.s32 $0xFFFFB800  }
0x1e: {  	[tilespmem:s2], [sflag:$0x2] =	stream.linear.gather [hbm4b:s4+s2], $0x120, $0x38;
	[tilespmem:$0x4920] =	vst v63  }
0x1f: {  	_ =	swait.ge [sflag:s3], $0x120  }
0x20: {  	[sflag:s3] =	ssyncset.done $0x0  }
0x21: {  	[sflag:s3] =	ssyncadd.s32 $0xFFFFFEE0  }
0x22: {  	[tilespmem:s7], [sflag:$0x1] =	stream.indirect.gather [hbm4b:s5+s6], $0x40, s2, s6, $0xb8;
	[tilespmem:$0x4920] =	vst v63  }
0x23: {  	_ = 	snop  }
0x24: {  	[tilespmem:s8], [sflag:$0x1] =	stream.indirect.gather [hbm4b:s5+s6], $0x40, s6, s6, $0xb8;
	[tilespmem:$0x4920] =	vst v63  }
0x25: {  	_ = 	snop  }
0x26: {  	[tilespmem:s10], [sflag:$0x1] =	stream.indirect.gather [hbm4b:s5+s6], $0x40, s9, s6, $0xb8;
	[tilespmem:$0x4920] =	vst v63  }
0x27: {  	_ =	swait.ge [sflag:s11], $0x1800  }
0x28: {  	[sflag:s11] =	ssyncset.done $0x0  }
0x29: {  	[sflag:s11] =	ssyncadd.s32 $0xFFFFE800  }
0x2a: {  	_ =	swait.ge [sflag:s11], $0x1800  }
0x2b: {  	[sflag:s11] =	ssyncset.done $0x0  }
0x2c: {  	[sflag:s11] =	ssyncadd.s32 $0xFFFFE800  }
0x2d: {  	_ =	swait.ge [sflag:s11], $0x1800  }
.Ltmp1:
0x2e: {  	[sflag:s11] =	ssyncset.done $0x0;
	(pc) =	sbr.rel @p0 .LBB2_1-.Ltmp1, $4  }
0x2f: {  	[sflag:s11] =	ssyncadd.s32 $0xFFFFE800  }
0x30: {  	[hbm4b:s12+s2] =	stream.linear.scatter [tilespmem:s7], [sflag:$0x2], $0x4800, $0x38;
	[tilespmem:$0x4920] =	vst v63  }
0x31: {  	_ =	swait.ge [sflag:s3], $0x4800  }
0x32: {  	[sflag:s3] =	ssyncset.done $0x0  }
.LBB2_2:
0x33: {  	[sflag:s3] =	ssyncadd.s32 $0xFFFFB800  }
0x34: {  	_ =	sfence.sel $0x180000  }
0x35: {  	[bflag:$0x0] =	sbarrier.arrive $0xFFFF  }
0x36: {  	p0 =	sne.s32 s0, $0x0;
	_ =	strace $0x90000047  }
0x37: {  	s0 =	sadd.s32 @!p0 $0x100000, s1;
	[bflag:$0x2] =	sbarrier.arrive $0xFFFF  }
0x38: {  	[sflag:s0] =	ssyncadd.tile.s32 @!p0 $0x1;
	_ =	shalt  }
.Lfunc_end2:
_tile_overlayer_lowered:
.L_overlay_start_2:
0x39: {  	(tag) =	ssettag $0x2  }
0x3a: {  	s0 =	rddreg [dreg:$0x0];
	s2 =	stileid.u32  }
0x3b: {  	s1 =	rddreg [dreg:$0x1];
	p0 =	sne.s32 s2, $0x0  }
0x3c: {  	s3 =	rddreg [dreg:$0x2];
	[bflag:$0x3] =	sbarrier.arrive $0xFFFF;
	s2 =	simm.s32 @!p0 $0x1C02  }
0x3d: {  	[timem:s3], [sflag:s2] =	dma.local @!p0 [hbm:s0], s1  }
0x3e: {  	s0 =	simm.s32 @!p0 $0x2  }
0x3f: {  	_ =	swait.ge @!p0 [sflag:s0], s1  }
0x40: {  	s1 =	ssub.s32 @!p0 $0x0, s1;
	[sflag:s0] =	ssyncset.done @!p0 $0x0  }
0x41: {  	[sflag:s0] =	ssyncadd.s32 @!p0 s1  }
0x42: {  	[bflag:$0x3] =	sbarrier.arrive $0xFFFF  }
0x43: {  	_ =	shalt  }

</sc_bundles>
